<compile_context>
chip_gen: v7x
topology: tpu7x:2x2x1
jax: 0.10.2.dev20260603
libtpu: 0.0.44.dev20260713+nightly
codegen_flags: <defaults>
</compile_context>

<pallas_src>
import functools

import jax
import jax.numpy as jnp
from jax import lax
from jax.experimental import pallas as pl
from jax.experimental.pallas import tpu as pltpu
from jax.experimental.pallas import tpu_sc as plsc

_B = 16384
_D = 32
_H = 8192
_O = 64

_BB = 512


_HC = _H // 2


def _round_bf16(v):
    u = lax.bitcast_convert_type(v, jnp.uint32)
    u = (u + 0x7FFF + ((u >> 16) & 1)) & jnp.uint32(0xFFFF0000)
    return lax.bitcast_convert_type(u, jnp.float32)


def _winners_body(x_ref, w_ref, xsq_ref, wsq_ref, win_ref):
    xb16 = x_ref[...].astype(jnp.bfloat16)
    x_sq = xsq_ref[...]
    iotaf = lax.broadcasted_iota(jnp.int32, (_HC, _BB), 0).astype(jnp.float32)
    mins, idxs = [], []
    for h in range(2):
        wc = w_ref[:, pl.ds(h * _HC, _HC)]
        w_sq = wsq_ref[pl.ds(h * _HC, _HC), :]
        mm = lax.dot_general(wc.astype(jnp.bfloat16), xb16,
                             (((0,), (0,)), ((), ())),
                             preferred_element_type=jnp.float32)
        d2 = (x_sq + w_sq) - 2.0 * mm
        m2 = jnp.maximum(jnp.min(d2, axis=0, keepdims=True), 0.0)
        s = jnp.sqrt(m2)
        m2_bits = lax.bitcast_convert_type(m2, jnp.int32)
        hi = m2
        for k in range(1, 8):
            cand = lax.bitcast_convert_type(m2_bits + k, jnp.float32)
            hi = jnp.where(jnp.sqrt(cand) == s, cand, hi)
        idx = jnp.min(jnp.where(d2 <= hi, iotaf, float(_HC)), axis=0,
                      keepdims=True) + float(h * _HC)
        mins.append(s)
        idxs.append(idx)
    take1 = mins[1] < _round_bf16(mins[0])
    win = jnp.where(take1, idxs[1], idxs[0]).astype(jnp.int32)
    win_ref[...] = win.reshape(1, 1, _BB)


def _compute_winners(x, kohonen_weights, x_sq, w_sq):
    grid = (_B // _BB,)
    return pl.pallas_call(
        _winners_body,
        grid=grid,
        in_specs=[
            pl.BlockSpec((_D, _BB), lambda i: (0, i)),
            pl.BlockSpec((_D, _H), lambda i: (0, 0)),
            pl.BlockSpec((1, _BB), lambda i: (0, i)),
            pl.BlockSpec((_H, 1), lambda i: (0, 0)),
        ],
        out_specs=pl.BlockSpec((1, 1, _BB), lambda i: (i, 0, 0)),
        out_shape=jax.ShapeDtypeStruct((_B // _BB, 1, _BB), jnp.int32),
    )(x, kohonen_weights, x_sq, w_sq)


def _make_gather():
    info = plsc.get_sparse_core_info()
    nc, ns = info.num_cores, info.num_subcores
    nw = nc * ns
    b_per_w = _B // nw
    n_chunks = b_per_w // 128
    mesh = plsc.VectorSubcoreMesh(core_axis_name="c", subcore_axis_name="s")

    @functools.partial(
        pl.kernel,
        mesh=mesh,
        out_type=jax.ShapeDtypeStruct((_B, 128), jnp.float32),
        scratch_types=[
            pltpu.VMEM((n_chunks, 128), jnp.int32),
            pltpu.VMEM((b_per_w, 128), jnp.float32),
            pltpu.SemaphoreType.DMA,
        ],
    )
    def gather_k(table_hbm, idx_hbm, out_hbm, idx_v, rows_v, sem):
        wid = lax.axis_index("s") * nc + lax.axis_index("c")
        base = wid * b_per_w
        pltpu.sync_copy(idx_hbm.at[pl.ds(wid * n_chunks, n_chunks)], idx_v)
        copies = [
            pltpu.async_copy(table_hbm.at[idx_v.at[j]],
                             rows_v.at[pl.ds(j * 128, 128)], sem)
            for j in range(n_chunks)
        ]
        for c in copies:
            c.wait()
        pltpu.sync_copy(rows_v, out_hbm.at[pl.ds(base, b_per_w)])

    return gather_k, n_chunks


def kernel(x, kohonen_weights, grossberg_weights):
    b = x.shape[0]
    xf = x.reshape(b, -1)
    x_sq = jnp.sum(xf * xf, axis=1, keepdims=True)
    w_sq = jnp.sum(kohonen_weights * kohonen_weights, axis=1)

    winners3d = _compute_winners(xf.T, kohonen_weights.T,
                                 x_sq.reshape(1, _B), w_sq.reshape(_H, 1))
    winners = winners3d.reshape(_B)

    gather_k, n_chunks = _make_gather()
    table = jnp.pad(grossberg_weights.T, ((0, 0), (0, 128 - _O)))
    idx2d = winners.reshape(_B // 128, 128)
    output = gather_k(table, idx2d)[:, :_O]
    output = output.astype(jnp.bfloat16).astype(jnp.float32)
    return (output, winners, b)

# --- scband reference (transcript-rebuilt; emitter-appended) ---
"""Pipeline reference for scband-forward-only-cpnn-46918222741664 (READ-ONLY COPY).

The authoritative reference and input builder live on the scoring server;
editing this copy changes nothing except your own understanding.
"""

import jax, jax.numpy as jnp
import numpy as np

B = 16384
D = 32
H = 8192
O = 64

def _l2_normalize(w):
    n = jnp.sqrt(jnp.sum(w * w, axis=1, keepdims=True))
    return w / jnp.maximum(n, 1e-12)

def setup_inputs(seed: int = 0) -> dict:
    key = jax.random.key(seed)
    k1, k2, k3 = jax.random.split(key, 3)
    x = jax.random.normal(k1, (B, D), dtype=jnp.float32)
    kohonen_weights = _l2_normalize(jax.random.normal(k2, (H, D), dtype=jnp.float32))
    grossberg_weights = _l2_normalize(jax.random.normal(k3, (O, H), dtype=jnp.float32))
    return {"x": x, "kohonen_weights": kohonen_weights, "grossberg_weights": grossberg_weights}

def reference(x, kohonen_weights, grossberg_weights):
    # flatten
    b = x.shape[0]
    xf = x.reshape(b, -1)
    # torch.cdist(x, W) with p=2 (euclidean distances)
    x_sq = jnp.sum(xf * xf, axis=1, keepdims=True)              # [B, 1]
    w_sq = jnp.sum(kohonen_weights * kohonen_weights, axis=1)    # [H]
    d2 = x_sq + w_sq[None, :] - 2.0 * (xf @ kohonen_weights.T)   # [B, H]
    distances = jnp.sqrt(jnp.maximum(d2, 0.0))
    winners = jnp.argmin(distances, axis=1)                      # [B] int
    # one-hot scatter: zeros.at[...].set(1)
    winner_one_hot = jnp.zeros((b, kohonen_weights.shape[0]), dtype=xf.dtype)
    winner_one_hot = winner_one_hot.at[jnp.arange(b), winners].set(1.0)
    output = winner_one_hot @ grossberg_weights.T                # [B, O]
    return (output, winners, b)

if __name__ == "__main__":
    import jax
    _d = setup_inputs()
    print(jax.jit(kernel)(*tuple(_d.values())))

</pallas_src>

<mosaic_0001>
#map = affine_map<(d0, d1) -> (0, 0)>
module attributes {stable_mosaic.version = 14 : i64} {
  func.func @gather_k(%arg0: i32, %arg1: i32, %arg2: memref<8192x128xf32, #tpu.memory_space<hbm>>, %arg3: memref<128x128xi32, #tpu.memory_space<hbm>>, %arg4: memref<16384x128xf32, #tpu.memory_space<hbm>>, %arg5: memref<4x128xi32, #tpu.memory_space<vmem>>, %arg6: memref<512x128xf32, #tpu.memory_space<vmem>>, %arg7: memref<!tpu.dma_semaphore, #tpu.memory_space<semaphore_mem>>) attributes {dimension_semantics = [#tpu.dimension_semantics<core_parallel>, #tpu.dimension_semantics<subcore_parallel>], iteration_bounds = array<i64: 2, 16>, scalar_prefetch = 0 : i64, scratch_operands = 3 : i64, tpu.core_type = #tpu.core_type<sc_vector_subcore>, window_params = [{transform_indices = #map}, {transform_indices = #map}, {transform_indices = #map}]} {
    %mul3A = arith.constant 2 : i32
    %mul3A_0 = arith.muli %arg1, %mul3A : i32
    %add3A = arith.addi %mul3A_0, %arg0 : i32
    %mul3A_1 = arith.constant 512 : i32
    %mul3A_2 = arith.muli %add3A, %mul3A_1 : i32
    %mul3A_3 = arith.constant 4 : i32
    %mul3A_4 = arith.muli %add3A, %mul3A_3 : i32
    "tpu.region"() ({
      %run_scoped3A = tpu.sem_alloc : memref<!tpu.dma_semaphore, #tpu.memory_space<semaphore_mem>>
      %dma_start3A_83 = arith.constant 0 : i32
      %dma_start3A_84 = tpu.memref_slice %arg3[%mul3A_4, %dma_start3A_83] : memref<128x128xi32, #tpu.memory_space<hbm>> -> memref<4x128xi32, #tpu.memory_space<hbm>>
      %dma_start3A_85 = arith.constant 0 : i32
      %dma_start3A_86 = tpu.memref_slice %arg3[%mul3A_4, %dma_start3A_85] : memref<128x128xi32, #tpu.memory_space<hbm>> -> memref<4x128xi32, #tpu.memory_space<hbm>>
      tpu.enqueue_dma source(%dma_start3A_86 : memref<4x128xi32, #tpu.memory_space<hbm>>) target(%arg5 : memref<4x128xi32, #tpu.memory_space<vmem>>) target_semaphore(%run_scoped3A : memref<!tpu.dma_semaphore, #tpu.memory_space<semaphore_mem>>)
      %dma_wait3A_87 = arith.constant 0 : i32
      %dma_wait3A_88 = tpu.memref_slice %arg3[%mul3A_4, %dma_wait3A_87] : memref<128x128xi32, #tpu.memory_space<hbm>> -> memref<4x128xi32, #tpu.memory_space<hbm>>
      %dma_wait3A_89 = arith.constant 0 : i32
      %dma_wait3A_90 = tpu.memref_slice %arg3[%mul3A_4, %dma_wait3A_89] : memref<128x128xi32, #tpu.memory_space<hbm>> -> memref<4x128xi32, #tpu.memory_space<hbm>>
      tpu.wait_dma2 semaphore(%run_scoped3A : memref<!tpu.dma_semaphore, #tpu.memory_space<semaphore_mem>>) src(%dma_wait3A_90 : memref<4x128xi32, #tpu.memory_space<hbm>>) dst(%arg5 : memref<4x128xi32, #tpu.memory_space<vmem>>)
      tpu.yield
    }) : () -> ()
    %dma_start3A = arith.constant 0 : i32
    %dma_start3A_5 = arith.constant 0 : i32
    %dma_start3A_6 = arith.constant 0 : i32
    %dma_start3A_7 = tpu.memref_slice %arg6[%dma_start3A_5, %dma_start3A_6] : memref<512x128xf32, #tpu.memory_space<vmem>> -> memref<128x128xf32, #tpu.memory_space<vmem>>
    %dma_start3A_8 = arith.constant 0 : i32
    %dma_start3A_9 = tpu.memref_slice %arg5[%dma_start3A, %dma_start3A_8] : memref<4x128xi32, #tpu.memory_space<vmem>> -> memref<1x128xi32, #tpu.memory_space<vmem>>
    %dma_start3A_10 = tpu.memref_squeeze %dma_start3A_9 : memref<1x128xi32, #tpu.memory_space<vmem>> -> memref<128xi32, #tpu.memory_space<vmem>>
    %dma_start3A_11 = arith.constant 0 : i32
    %dma_start3A_12 = arith.constant 0 : i32
    %dma_start3A_13 = tpu.memref_slice %arg2[%dma_start3A_11, %dma_start3A_12] : memref<8192x128xf32, #tpu.memory_space<hbm>> -> memref<8192x128xf32, #tpu.memory_space<hbm>>
    tpu.enqueue_indirect_dma source(%dma_start3A_13 : memref<8192x128xf32, #tpu.memory_space<hbm>>) target(%dma_start3A_7 : memref<128x128xf32, #tpu.memory_space<vmem>>) offsets(%dma_start3A_10 : memref<128xi32, #tpu.memory_space<vmem>>) semaphore(%arg7 : memref<!tpu.dma_semaphore, #tpu.memory_space<semaphore_mem>>)
    %dma_start3A_14 = arith.constant 1 : i32
    %dma_start3A_15 = arith.constant 128 : i32
    %dma_start3A_16 = arith.constant 0 : i32
    %dma_start3A_17 = tpu.memref_slice %arg6[%dma_start3A_15, %dma_start3A_16] : memref<512x128xf32, #tpu.memory_space<vmem>> -> memref<128x128xf32, #tpu.memory_space<vmem>>
    %dma_start3A_18 = arith.constant 0 : i32
    %dma_start3A_19 = tpu.memref_slice %arg5[%dma_start3A_14, %dma_start3A_18] : memref<4x128xi32, #tpu.memory_space<vmem>> -> memref<1x128xi32, #tpu.memory_space<vmem>>
    %dma_start3A_20 = tpu.memref_squeeze %dma_start3A_19 : memref<1x128xi32, #tpu.memory_space<vmem>> -> memref<128xi32, #tpu.memory_space<vmem>>
    %dma_start3A_21 = arith.constant 0 : i32
    %dma_start3A_22 = arith.constant 0 : i32
    %dma_start3A_23 = tpu.memref_slice %arg2[%dma_start3A_21, %dma_start3A_22] : memref<8192x128xf32, #tpu.memory_space<hbm>> -> memref<8192x128xf32, #tpu.memory_space<hbm>>
    tpu.enqueue_indirect_dma source(%dma_start3A_23 : memref<8192x128xf32, #tpu.memory_space<hbm>>) target(%dma_start3A_17 : memref<128x128xf32, #tpu.memory_space<vmem>>) offsets(%dma_start3A_20 : memref<128xi32, #tpu.memory_space<vmem>>) semaphore(%arg7 : memref<!tpu.dma_semaphore, #tpu.memory_space<semaphore_mem>>)
    %dma_start3A_24 = arith.constant 2 : i32
    %dma_start3A_25 = arith.constant 256 : i32
    %dma_start3A_26 = arith.constant 0 : i32
    %dma_start3A_27 = tpu.memref_slice %arg6[%dma_start3A_25, %dma_start3A_26] : memref<512x128xf32, #tpu.memory_space<vmem>> -> memref<128x128xf32, #tpu.memory_space<vmem>>
    %dma_start3A_28 = arith.constant 0 : i32
    %dma_start3A_29 = tpu.memref_slice %arg5[%dma_start3A_24, %dma_start3A_28] : memref<4x128xi32, #tpu.memory_space<vmem>> -> memref<1x128xi32, #tpu.memory_space<vmem>>
    %dma_start3A_30 = tpu.memref_squeeze %dma_start3A_29 : memref<1x128xi32, #tpu.memory_space<vmem>> -> memref<128xi32, #tpu.memory_space<vmem>>
    %dma_start3A_31 = arith.constant 0 : i32
    %dma_start3A_32 = arith.constant 0 : i32
    %dma_start3A_33 = tpu.memref_slice %arg2[%dma_start3A_31, %dma_start3A_32] : memref<8192x128xf32, #tpu.memory_space<hbm>> -> memref<8192x128xf32, #tpu.memory_space<hbm>>
    tpu.enqueue_indirect_dma source(%dma_start3A_33 : memref<8192x128xf32, #tpu.memory_space<hbm>>) target(%dma_start3A_27 : memref<128x128xf32, #tpu.memory_space<vmem>>) offsets(%dma_start3A_30 : memref<128xi32, #tpu.memory_space<vmem>>) semaphore(%arg7 : memref<!tpu.dma_semaphore, #tpu.memory_space<semaphore_mem>>)
    %dma_start3A_34 = arith.constant 3 : i32
    %dma_start3A_35 = arith.constant 384 : i32
    %dma_start3A_36 = arith.constant 0 : i32
    %dma_start3A_37 = tpu.memref_slice %arg6[%dma_start3A_35, %dma_start3A_36] : memref<512x128xf32, #tpu.memory_space<vmem>> -> memref<128x128xf32, #tpu.memory_space<vmem>>
    %dma_start3A_38 = arith.constant 0 : i32
    %dma_start3A_39 = tpu.memref_slice %arg5[%dma_start3A_34, %dma_start3A_38] : memref<4x128xi32, #tpu.memory_space<vmem>> -> memref<1x128xi32, #tpu.memory_space<vmem>>
    %dma_start3A_40 = tpu.memref_squeeze %dma_start3A_39 : memref<1x128xi32, #tpu.memory_space<vmem>> -> memref<128xi32, #tpu.memory_space<vmem>>
    %dma_start3A_41 = arith.constant 0 : i32
    %dma_start3A_42 = arith.constant 0 : i32
    %dma_start3A_43 = tpu.memref_slice %arg2[%dma_start3A_41, %dma_start3A_42] : memref<8192x128xf32, #tpu.memory_space<hbm>> -> memref<8192x128xf32, #tpu.memory_space<hbm>>
    tpu.enqueue_indirect_dma source(%dma_start3A_43 : memref<8192x128xf32, #tpu.memory_space<hbm>>) target(%dma_start3A_37 : memref<128x128xf32, #tpu.memory_space<vmem>>) offsets(%dma_start3A_40 : memref<128xi32, #tpu.memory_space<vmem>>) semaphore(%arg7 : memref<!tpu.dma_semaphore, #tpu.memory_space<semaphore_mem>>)
    %dma_wait3A = arith.constant 0 : i32
    %dma_wait3A_44 = arith.constant 0 : i32
    %dma_wait3A_45 = arith.constant 0 : i32
    %dma_wait3A_46 = tpu.memref_slice %arg6[%dma_wait3A_44, %dma_wait3A_45] : memref<512x128xf32, #tpu.memory_space<vmem>> -> memref<128x128xf32, #tpu.memory_space<vmem>>
    %dma_wait3A_47 = arith.constant 0 : i32
    %dma_wait3A_48 = tpu.memref_slice %arg5[%dma_wait3A, %dma_wait3A_47] : memref<4x128xi32, #tpu.memory_space<vmem>> -> memref<1x128xi32, #tpu.memory_space<vmem>>
    %dma_wait3A_49 = tpu.memref_squeeze %dma_wait3A_48 : memref<1x128xi32, #tpu.memory_space<vmem>> -> memref<128xi32, #tpu.memory_space<vmem>>
    %dma_wait3A_50 = arith.constant 0 : i32
    %dma_wait3A_51 = arith.constant 0 : i32
    %dma_wait3A_52 = tpu.memref_slice %arg2[%dma_wait3A_50, %dma_wait3A_51] : memref<8192x128xf32, #tpu.memory_space<hbm>> -> memref<8192x128xf32, #tpu.memory_space<hbm>>
    tpu.wait_indirect_dma semaphore(%arg7 : memref<!tpu.dma_semaphore, #tpu.memory_space<semaphore_mem>>) src(%dma_wait3A_52 : memref<8192x128xf32, #tpu.memory_space<hbm>>) dst(%dma_wait3A_46 : memref<128x128xf32, #tpu.memory_space<vmem>>)
    %dma_wait3A_53 = arith.constant 1 : i32
    %dma_wait3A_54 = arith.constant 128 : i32
    %dma_wait3A_55 = arith.constant 0 : i32
    %dma_wait3A_56 = tpu.memref_slice %arg6[%dma_wait3A_54, %dma_wait3A_55] : memref<512x128xf32, #tpu.memory_space<vmem>> -> memref<128x128xf32, #tpu.memory_space<vmem>>
    %dma_wait3A_57 = arith.constant 0 : i32
    %dma_wait3A_58 = tpu.memref_slice %arg5[%dma_wait3A_53, %dma_wait3A_57] : memref<4x128xi32, #tpu.memory_space<vmem>> -> memref<1x128xi32, #tpu.memory_space<vmem>>
    %dma_wait3A_59 = tpu.memref_squeeze %dma_wait3A_58 : memref<1x128xi32, #tpu.memory_space<vmem>> -> memref<128xi32, #tpu.memory_space<vmem>>
    %dma_wait3A_60 = arith.constant 0 : i32
    %dma_wait3A_61 = arith.constant 0 : i32
    %dma_wait3A_62 = tpu.memref_slice %arg2[%dma_wait3A_60, %dma_wait3A_61] : memref<8192x128xf32, #tpu.memory_space<hbm>> -> memref<8192x128xf32, #tpu.memory_space<hbm>>
    tpu.wait_indirect_dma semaphore(%arg7 : memref<!tpu.dma_semaphore, #tpu.memory_space<semaphore_mem>>) src(%dma_wait3A_62 : memref<8192x128xf32, #tpu.memory_space<hbm>>) dst(%dma_wait3A_56 : memref<128x128xf32, #tpu.memory_space<vmem>>)
    %dma_wait3A_63 = arith.constant 2 : i32
    %dma_wait3A_64 = arith.constant 256 : i32
    %dma_wait3A_65 = arith.constant 0 : i32
    %dma_wait3A_66 = tpu.memref_slice %arg6[%dma_wait3A_64, %dma_wait3A_65] : memref<512x128xf32, #tpu.memory_space<vmem>> -> memref<128x128xf32, #tpu.memory_space<vmem>>
    %dma_wait3A_67 = arith.constant 0 : i32
    %dma_wait3A_68 = tpu.memref_slice %arg5[%dma_wait3A_63, %dma_wait3A_67] : memref<4x128xi32, #tpu.memory_space<vmem>> -> memref<1x128xi32, #tpu.memory_space<vmem>>
    %dma_wait3A_69 = tpu.memref_squeeze %dma_wait3A_68 : memref<1x128xi32, #tpu.memory_space<vmem>> -> memref<128xi32, #tpu.memory_space<vmem>>
    %dma_wait3A_70 = arith.constant 0 : i32
    %dma_wait3A_71 = arith.constant 0 : i32
    %dma_wait3A_72 = tpu.memref_slice %arg2[%dma_wait3A_70, %dma_wait3A_71] : memref<8192x128xf32, #tpu.memory_space<hbm>> -> memref<8192x128xf32, #tpu.memory_space<hbm>>
    tpu.wait_indirect_dma semaphore(%arg7 : memref<!tpu.dma_semaphore, #tpu.memory_space<semaphore_mem>>) src(%dma_wait3A_72 : memref<8192x128xf32, #tpu.memory_space<hbm>>) dst(%dma_wait3A_66 : memref<128x128xf32, #tpu.memory_space<vmem>>)
    %dma_wait3A_73 = arith.constant 3 : i32
    %dma_wait3A_74 = arith.constant 384 : i32
    %dma_wait3A_75 = arith.constant 0 : i32
    %dma_wait3A_76 = tpu.memref_slice %arg6[%dma_wait3A_74, %dma_wait3A_75] : memref<512x128xf32, #tpu.memory_space<vmem>> -> memref<128x128xf32, #tpu.memory_space<vmem>>
    %dma_wait3A_77 = arith.constant 0 : i32
    %dma_wait3A_78 = tpu.memref_slice %arg5[%dma_wait3A_73, %dma_wait3A_77] : memref<4x128xi32, #tpu.memory_space<vmem>> -> memref<1x128xi32, #tpu.memory_space<vmem>>
    %dma_wait3A_79 = tpu.memref_squeeze %dma_wait3A_78 : memref<1x128xi32, #tpu.memory_space<vmem>> -> memref<128xi32, #tpu.memory_space<vmem>>
    %dma_wait3A_80 = arith.constant 0 : i32
    %dma_wait3A_81 = arith.constant 0 : i32
    %dma_wait3A_82 = tpu.memref_slice %arg2[%dma_wait3A_80, %dma_wait3A_81] : memref<8192x128xf32, #tpu.memory_space<hbm>> -> memref<8192x128xf32, #tpu.memory_space<hbm>>
    tpu.wait_indirect_dma semaphore(%arg7 : memref<!tpu.dma_semaphore, #tpu.memory_space<semaphore_mem>>) src(%dma_wait3A_82 : memref<8192x128xf32, #tpu.memory_space<hbm>>) dst(%dma_wait3A_76 : memref<128x128xf32, #tpu.memory_space<vmem>>)
    "tpu.region"() ({
      %run_scoped3A = tpu.sem_alloc : memref<!tpu.dma_semaphore, #tpu.memory_space<semaphore_mem>>
      %dma_start3A_83 = arith.constant 0 : i32
      %dma_start3A_84 = tpu.memref_slice %arg4[%mul3A_2, %dma_start3A_83] : memref<16384x128xf32, #tpu.memory_space<hbm>> -> memref<512x128xf32, #tpu.memory_space<hbm>>
      %dma_start3A_85 = arith.constant 0 : i32
      %dma_start3A_86 = tpu.memref_slice %arg4[%mul3A_2, %dma_start3A_85] : memref<16384x128xf32, #tpu.memory_space<hbm>> -> memref<512x128xf32, #tpu.memory_space<hbm>>
      tpu.enqueue_dma source(%arg6 : memref<512x128xf32, #tpu.memory_space<vmem>>) target(%dma_start3A_86 : memref<512x128xf32, #tpu.memory_space<hbm>>) target_semaphore(%run_scoped3A : memref<!tpu.dma_semaphore, #tpu.memory_space<semaphore_mem>>)
      %dma_wait3A_87 = arith.constant 0 : i32
      %dma_wait3A_88 = tpu.memref_slice %arg4[%mul3A_2, %dma_wait3A_87] : memref<16384x128xf32, #tpu.memory_space<hbm>> -> memref<512x128xf32, #tpu.memory_space<hbm>>
      %dma_wait3A_89 = arith.constant 0 : i32
      %dma_wait3A_90 = tpu.memref_slice %arg4[%mul3A_2, %dma_wait3A_89] : memref<16384x128xf32, #tpu.memory_space<hbm>> -> memref<512x128xf32, #tpu.memory_space<hbm>>
      tpu.wait_dma2 semaphore(%run_scoped3A : memref<!tpu.dma_semaphore, #tpu.memory_space<semaphore_mem>>) src(%arg6 : memref<512x128xf32, #tpu.memory_space<vmem>>) dst(%dma_wait3A_90 : memref<512x128xf32, #tpu.memory_space<hbm>>)
      tpu.yield
    }) : () -> ()
    return
  }
}

module attributes {stable_mosaic.version = 14 : i64} {
  func.func @_winners_body(%arg0: i32, %arg1: memref<32x512xf32, #tpu.memory_space<vmem>>, %arg2: memref<32x8192xf32, #tpu.memory_space<vmem>>, %arg3: memref<1x512xf32, #tpu.memory_space<vmem>>, %arg4: memref<8192x1xf32, #tpu.memory_space<vmem>>, %arg5: memref<1x1x512xi32, #tpu.memory_space<vmem>>) attributes {dimension_semantics = [#tpu.dimension_semantics<arbitrary>], iteration_bounds = array<i64: 32>, scalar_prefetch = 0 : i64, scratch_operands = 0 : i64, tpu.core_type = #tpu.core_type<tc>, window_params = [{transform_indices = @transform_0, window_bounds = array<i64: 32, 512>}, {pipeline_mode = #tpu.pipeline_mode<synchronous>, transform_indices = @transform_1, window_bounds = array<i64: 32, 8192>}, {transform_indices = @transform_2, window_bounds = array<i64: 1, 512>}, {pipeline_mode = #tpu.pipeline_mode<synchronous>, transform_indices = @transform_3, window_bounds = array<i64: 8192, 1>}, {transform_indices = @transform_4, window_bounds = array<i64: 1, 1, 512>}]} {
    %get3A = arith.constant 0 : index
    %get3A_0 = arith.constant 0 : index
    %get3A_1 = vector.load %arg1[%get3A, %get3A_0] : memref<32x512xf32, #tpu.memory_space<vmem>>, vector<32x512xf32>
    %convert_element_type3A = arith.truncf %get3A_1 : vector<32x512xf32> to vector<32x512xbf16>
    %get3A_2 = arith.constant 0 : index
    %get3A_3 = arith.constant 0 : index
    %get3A_4 = vector.load %arg3[%get3A_2, %get3A_3] : memref<1x512xf32, #tpu.memory_space<vmem>>, vector<1x512xf32>
    %iota3A = tpu.iota {dimensions = array<i32: 0>} : vector<4096x512xi32>
    %convert_element_type3A_5 = arith.sitofp %iota3A : vector<4096x512xi32> to vector<4096x512xf32>
    %get3A_6 = arith.constant 0 : index
    %get3A_7 = arith.constant 0 : index
    %get3A_8 = vector.load %arg2[%get3A_6, %get3A_7] : memref<32x8192xf32, #tpu.memory_space<vmem>>, vector<32x4096xf32>
    %get3A_9 = arith.constant 0 : index
    %get3A_10 = arith.constant 0 : index
    %get3A_11 = vector.load %arg4[%get3A_9, %get3A_10] : memref<8192x1xf32, #tpu.memory_space<vmem>>, vector<4096x1xf32>
    %convert_element_type3A_12 = arith.truncf %get3A_8 : vector<32x4096xf32> to vector<32x4096xbf16>
    %dot_general3A = arith.constant dense<0.000000e+00> : vector<4096x512xf32>
    %dot_general3A_13 = tpu.matmul %convert_element_type3A_12, %convert_element_type3A, %dot_general3A {dimension_numbers = #tpu.dot_dimension_numbers<[0], [0], [1], [1], [0, 1, 1, 1], [], []>, transpose_lhs_hint = false} : vector<32x4096xbf16>, vector<32x512xbf16>, vector<4096x512xf32> -> vector<4096x512xf32>
    %add3A = vector.broadcast %get3A_4 : vector<1x512xf32> to vector<4096x512xf32>
    %add3A_14 = vector.broadcast %get3A_11 : vector<4096x1xf32> to vector<4096x512xf32>
    %add3A_15 = arith.addf %add3A, %add3A_14 : vector<4096x512xf32>
    %mul3A = arith.constant 2.000000e+00 : f32
    %mul3A_16 = vector.broadcast %mul3A : f32 to vector<4096x512xf32>
    %mul3A_17 = arith.mulf %mul3A_16, %dot_general3A_13 : vector<4096x512xf32>
    %sub3A = arith.subf %add3A_15, %mul3A_17 : vector<4096x512xf32>
    %reduce_min3A = arith.constant dense<0x7F800000> : vector<512xf32>
    %reduce_min3A_18 = vector.multi_reduction <minimumf>, %sub3A, %reduce_min3A [0] : vector<4096x512xf32> to vector<512xf32>
    %broadcast_in_dim3A = vector.shape_cast %reduce_min3A_18 : vector<512xf32> to vector<1x512xf32>
    %max3A = arith.constant 0.000000e+00 : f32
    %max3A_19 = vector.broadcast %max3A : f32 to vector<1x512xf32>
    %max3A_20 = arith.maximumf %broadcast_in_dim3A, %max3A_19 : vector<1x512xf32>
    %sqrt3A = math.sqrt %max3A_20 : vector<1x512xf32>
    %bitcast_convert_type3A = tpu.bitcast %max3A_20 : vector<1x512xf32> -> vector<1x512xi32>
    %add3A_21 = arith.constant 1 : i32
    %add3A_22 = vector.broadcast %add3A_21 : i32 to vector<1x512xi32>
    %add3A_23 = arith.addi %bitcast_convert_type3A, %add3A_22 : vector<1x512xi32>
    %bitcast_convert_type3A_24 = tpu.bitcast %add3A_23 : vector<1x512xi32> -> vector<1x512xf32>
    %sqrt3A_25 = math.sqrt %bitcast_convert_type3A_24 : vector<1x512xf32>
    %eq3A = arith.cmpf oeq, %sqrt3A_25, %sqrt3A : vector<1x512xf32>
    %select_n3A = arith.select %eq3A, %bitcast_convert_type3A_24, %max3A_20 : vector<1x512xi1>, vector<1x512xf32>
    %add3A_26 = arith.constant 2 : i32
    %add3A_27 = vector.broadcast %add3A_26 : i32 to vector<1x512xi32>
    %add3A_28 = arith.addi %bitcast_convert_type3A, %add3A_27 : vector<1x512xi32>
    %bitcast_convert_type3A_29 = tpu.bitcast %add3A_28 : vector<1x512xi32> -> vector<1x512xf32>
    %sqrt3A_30 = math.sqrt %bitcast_convert_type3A_29 : vector<1x512xf32>
    %eq3A_31 = arith.cmpf oeq, %sqrt3A_30, %sqrt3A : vector<1x512xf32>
    %select_n3A_32 = arith.select %eq3A_31, %bitcast_convert_type3A_29, %select_n3A : vector<1x512xi1>, vector<1x512xf32>
    %add3A_33 = arith.constant 3 : i32
    %add3A_34 = vector.broadcast %add3A_33 : i32 to vector<1x512xi32>
    %add3A_35 = arith.addi %bitcast_convert_type3A, %add3A_34 : vector<1x512xi32>
    %bitcast_convert_type3A_36 = tpu.bitcast %add3A_35 : vector<1x512xi32> -> vector<1x512xf32>
    %sqrt3A_37 = math.sqrt %bitcast_convert_type3A_36 : vector<1x512xf32>
    %eq3A_38 = arith.cmpf oeq, %sqrt3A_37, %sqrt3A : vector<1x512xf32>
    %select_n3A_39 = arith.select %eq3A_38, %bitcast_convert_type3A_36, %select_n3A_32 : vector<1x512xi1>, vector<1x512xf32>
    %add3A_40 = arith.constant 4 : i32
    %add3A_41 = vector.broadcast %add3A_40 : i32 to vector<1x512xi32>
    %add3A_42 = arith.addi %bitcast_convert_type3A, %add3A_41 : vector<1x512xi32>
    %bitcast_convert_type3A_43 = tpu.bitcast %add3A_42 : vector<1x512xi32> -> vector<1x512xf32>
    %sqrt3A_44 = math.sqrt %bitcast_convert_type3A_43 : vector<1x512xf32>
    %eq3A_45 = arith.cmpf oeq, %sqrt3A_44, %sqrt3A : vector<1x512xf32>
    %select_n3A_46 = arith.select %eq3A_45, %bitcast_convert_type3A_43, %select_n3A_39 : vector<1x512xi1>, vector<1x512xf32>
    %add3A_47 = arith.constant 5 : i32
    %add3A_48 = vector.broadcast %add3A_47 : i32 to vector<1x512xi32>
    %add3A_49 = arith.addi %bitcast_convert_type3A, %add3A_48 : vector<1x512xi32>
    %bitcast_convert_type3A_50 = tpu.bitcast %add3A_49 : vector<1x512xi32> -> vector<1x512xf32>
    %sqrt3A_51 = math.sqrt %bitcast_convert_type3A_50 : vector<1x512xf32>
    %eq3A_52 = arith.cmpf oeq, %sqrt3A_51, %sqrt3A : vector<1x512xf32>
    %select_n3A_53 = arith.select %eq3A_52, %bitcast_convert_type3A_50, %select_n3A_46 : vector<1x512xi1>, vector<1x512xf32>
    %add3A_54 = arith.constant 6 : i32
    %add3A_55 = vector.broadcast %add3A_54 : i32 to vector<1x512xi32>
    %add3A_56 = arith.addi %bitcast_convert_type3A, %add3A_55 : vector<1x512xi32>
    %bitcast_convert_type3A_57 = tpu.bitcast %add3A_56 : vector<1x512xi32> -> vector<1x512xf32>
    %sqrt3A_58 = math.sqrt %bitcast_convert_type3A_57 : vector<1x512xf32>
    %eq3A_59 = arith.cmpf oeq, %sqrt3A_58, %sqrt3A : vector<1x512xf32>
    %select_n3A_60 = arith.select %eq3A_59, %bitcast_convert_type3A_57, %select_n3A_53 : vector<1x512xi1>, vector<1x512xf32>
    %add3A_61 = arith.constant 7 : i32
    %add3A_62 = vector.broadcast %add3A_61 : i32 to vector<1x512xi32>
    %add3A_63 = arith.addi %bitcast_convert_type3A, %add3A_62 : vector<1x512xi32>
    %bitcast_convert_type3A_64 = tpu.bitcast %add3A_63 : vector<1x512xi32> -> vector<1x512xf32>
    %sqrt3A_65 = math.sqrt %bitcast_convert_type3A_64 : vector<1x512xf32>
    %eq3A_66 = arith.cmpf oeq, %sqrt3A_65, %sqrt3A : vector<1x512xf32>
    %select_n3A_67 = arith.select %eq3A_66, %bitcast_convert_type3A_64, %select_n3A_60 : vector<1x512xi1>, vector<1x512xf32>
    %le3A = vector.broadcast %select_n3A_67 : vector<1x512xf32> to vector<4096x512xf32>
    %le3A_68 = arith.cmpf ole, %sub3A, %le3A : vector<4096x512xf32>
    %jit3A = arith.constant 4.096000e+03 : f32
    %broadcast_in_dim3A_69 = vector.broadcast %jit3A : f32 to vector<4096x512xf32>
    %select_n3A_70 = arith.select %le3A_68, %convert_element_type3A_5, %broadcast_in_dim3A_69 : vector<4096x512xi1>, vector<4096x512xf32>
    %reduce_min3A_71 = arith.constant dense<0x7F800000> : vector<512xf32>
    %reduce_min3A_72 = vector.multi_reduction <minimumf>, %select_n3A_70, %reduce_min3A_71 [0] : vector<4096x512xf32> to vector<512xf32>
    %broadcast_in_dim3A_73 = vector.shape_cast %reduce_min3A_72 : vector<512xf32> to vector<1x512xf32>
    %add3A_74 = arith.constant 0.000000e+00 : f32
    %add3A_75 = vector.broadcast %add3A_74 : f32 to vector<1x512xf32>
    %add3A_76 = arith.addf %broadcast_in_dim3A_73, %add3A_75 : vector<1x512xf32>
    %get3A_77 = arith.constant 0 : index
    %get3A_78 = arith.constant 4096 : index
    %get3A_79 = vector.load %arg2[%get3A_77, %get3A_78] : memref<32x8192xf32, #tpu.memory_space<vmem>>, vector<32x4096xf32>
    %get3A_80 = arith.constant 4096 : index
    %get3A_81 = arith.constant 0 : index
    %get3A_82 = vector.load %arg4[%get3A_80, %get3A_81] : memref<8192x1xf32, #tpu.memory_space<vmem>>, vector<4096x1xf32>
    %convert_element_type3A_83 = arith.truncf %get3A_79 : vector<32x4096xf32> to vector<32x4096xbf16>
    %dot_general3A_84 = arith.constant dense<0.000000e+00> : vector<4096x512xf32>
    %dot_general3A_85 = tpu.matmul %convert_element_type3A_83, %convert_element_type3A, %dot_general3A_84 {dimension_numbers = #tpu.dot_dimension_numbers<[0], [0], [1], [1], [0, 1, 1, 1], [], []>, transpose_lhs_hint = false} : vector<32x4096xbf16>, vector<32x512xbf16>, vector<4096x512xf32> -> vector<4096x512xf32>
    %add3A_86 = vector.broadcast %get3A_4 : vector<1x512xf32> to vector<4096x512xf32>
    %add3A_87 = vector.broadcast %get3A_82 : vector<4096x1xf32> to vector<4096x512xf32>
    %add3A_88 = arith.addf %add3A_86, %add3A_87 : vector<4096x512xf32>
    %mul3A_89 = arith.constant 2.000000e+00 : f32
    %mul3A_90 = vector.broadcast %mul3A_89 : f32 to vector<4096x512xf32>
    %mul3A_91 = arith.mulf %mul3A_90, %dot_general3A_85 : vector<4096x512xf32>
    %sub3A_92 = arith.subf %add3A_88, %mul3A_91 : vector<4096x512xf32>
    %reduce_min3A_93 = arith.constant dense<0x7F800000> : vector<512xf32>
    %reduce_min3A_94 = vector.multi_reduction <minimumf>, %sub3A_92, %reduce_min3A_93 [0] : vector<4096x512xf32> to vector<512xf32>
    %broadcast_in_dim3A_95 = vector.shape_cast %reduce_min3A_94 : vector<512xf32> to vector<1x512xf32>
    %max3A_96 = arith.constant 0.000000e+00 : f32
    %max3A_97 = vector.broadcast %max3A_96 : f32 to vector<1x512xf32>
    %max3A_98 = arith.maximumf %broadcast_in_dim3A_95, %max3A_97 : vector<1x512xf32>
    %sqrt3A_99 = math.sqrt %max3A_98 : vector<1x512xf32>
    %bitcast_convert_type3A_100 = tpu.bitcast %max3A_98 : vector<1x512xf32> -> vector<1x512xi32>
    %add3A_101 = arith.constant 1 : i32
    %add3A_102 = vector.broadcast %add3A_101 : i32 to vector<1x512xi32>
    %add3A_103 = arith.addi %bitcast_convert_type3A_100, %add3A_102 : vector<1x512xi32>
    %bitcast_convert_type3A_104 = tpu.bitcast %add3A_103 : vector<1x512xi32> -> vector<1x512xf32>
    %sqrt3A_105 = math.sqrt %bitcast_convert_type3A_104 : vector<1x512xf32>
    %eq3A_106 = arith.cmpf oeq, %sqrt3A_105, %sqrt3A_99 : vector<1x512xf32>
    %select_n3A_107 = arith.select %eq3A_106, %bitcast_convert_type3A_104, %max3A_98 : vector<1x512xi1>, vector<1x512xf32>
    %add3A_108 = arith.constant 2 : i32
    %add3A_109 = vector.broadcast %add3A_108 : i32 to vector<1x512xi32>
    %add3A_110 = arith.addi %bitcast_convert_type3A_100, %add3A_109 : vector<1x512xi32>
    %bitcast_convert_type3A_111 = tpu.bitcast %add3A_110 : vector<1x512xi32> -> vector<1x512xf32>
    %sqrt3A_112 = math.sqrt %bitcast_convert_type3A_111 : vector<1x512xf32>
    %eq3A_113 = arith.cmpf oeq, %sqrt3A_112, %sqrt3A_99 : vector<1x512xf32>
    %select_n3A_114 = arith.select %eq3A_113, %bitcast_convert_type3A_111, %select_n3A_107 : vector<1x512xi1>, vector<1x512xf32>
    %add3A_115 = arith.constant 3 : i32
    %add3A_116 = vector.broadcast %add3A_115 : i32 to vector<1x512xi32>
    %add3A_117 = arith.addi %bitcast_convert_type3A_100, %add3A_116 : vector<1x512xi32>
    %bitcast_convert_type3A_118 = tpu.bitcast %add3A_117 : vector<1x512xi32> -> vector<1x512xf32>
    %sqrt3A_119 = math.sqrt %bitcast_convert_type3A_118 : vector<1x512xf32>
    %eq3A_120 = arith.cmpf oeq, %sqrt3A_119, %sqrt3A_99 : vector<1x512xf32>
    %select_n3A_121 = arith.select %eq3A_120, %bitcast_convert_type3A_118, %select_n3A_114 : vector<1x512xi1>, vector<1x512xf32>
    %add3A_122 = arith.constant 4 : i32
    %add3A_123 = vector.broadcast %add3A_122 : i32 to vector<1x512xi32>
    %add3A_124 = arith.addi %bitcast_convert_type3A_100, %add3A_123 : vector<1x512xi32>
    %bitcast_convert_type3A_125 = tpu.bitcast %add3A_124 : vector<1x512xi32> -> vector<1x512xf32>
    %sqrt3A_126 = math.sqrt %bitcast_convert_type3A_125 : vector<1x512xf32>
    %eq3A_127 = arith.cmpf oeq, %sqrt3A_126, %sqrt3A_99 : vector<1x512xf32>
    %select_n3A_128 = arith.select %eq3A_127, %bitcast_convert_type3A_125, %select_n3A_121 : vector<1x512xi1>, vector<1x512xf32>
    %add3A_129 = arith.constant 5 : i32
    %add3A_130 = vector.broadcast %add3A_129 : i32 to vector<1x512xi32>
    %add3A_131 = arith.addi %bitcast_convert_type3A_100, %add3A_130 : vector<1x512xi32>
    %bitcast_convert_type3A_132 = tpu.bitcast %add3A_131 : vector<1x512xi32> -> vector<1x512xf32>
    %sqrt3A_133 = math.sqrt %bitcast_convert_type3A_132 : vector<1x512xf32>
    %eq3A_134 = arith.cmpf oeq, %sqrt3A_133, %sqrt3A_99 : vector<1x512xf32>
    %select_n3A_135 = arith.select %eq3A_134, %bitcast_convert_type3A_132, %select_n3A_128 : vector<1x512xi1>, vector<1x512xf32>
    %add3A_136 = arith.constant 6 : i32
    %add3A_137 = vector.broadcast %add3A_136 : i32 to vector<1x512xi32>
    %add3A_138 = arith.addi %bitcast_convert_type3A_100, %add3A_137 : vector<1x512xi32>
    %bitcast_convert_type3A_139 = tpu.bitcast %add3A_138 : vector<1x512xi32> -> vector<1x512xf32>
    %sqrt3A_140 = math.sqrt %bitcast_convert_type3A_139 : vector<1x512xf32>
    %eq3A_141 = arith.cmpf oeq, %sqrt3A_140, %sqrt3A_99 : vector<1x512xf32>
    %select_n3A_142 = arith.select %eq3A_141, %bitcast_convert_type3A_139, %select_n3A_135 : vector<1x512xi1>, vector<1x512xf32>
    %add3A_143 = arith.constant 7 : i32
    %add3A_144 = vector.broadcast %add3A_143 : i32 to vector<1x512xi32>
    %add3A_145 = arith.addi %bitcast_convert_type3A_100, %add3A_144 : vector<1x512xi32>
    %bitcast_convert_type3A_146 = tpu.bitcast %add3A_145 : vector<1x512xi32> -> vector<1x512xf32>
    %sqrt3A_147 = math.sqrt %bitcast_convert_type3A_146 : vector<1x512xf32>
    %eq3A_148 = arith.cmpf oeq, %sqrt3A_147, %sqrt3A_99 : vector<1x512xf32>
    %select_n3A_149 = arith.select %eq3A_148, %bitcast_convert_type3A_146, %select_n3A_142 : vector<1x512xi1>, vector<1x512xf32>
    %le3A_150 = vector.broadcast %select_n3A_149 : vector<1x512xf32> to vector<4096x512xf32>
    %le3A_151 = arith.cmpf ole, %sub3A_92, %le3A_150 : vector<4096x512xf32>
    %jit3A_152 = arith.constant 4.096000e+03 : f32
    %broadcast_in_dim3A_153 = vector.broadcast %jit3A_152 : f32 to vector<4096x512xf32>
    %select_n3A_154 = arith.select %le3A_151, %convert_element_type3A_5, %broadcast_in_dim3A_153 : vector<4096x512xi1>, vector<4096x512xf32>
    %reduce_min3A_155 = arith.constant dense<0x7F800000> : vector<512xf32>
    %reduce_min3A_156 = vector.multi_reduction <minimumf>, %select_n3A_154, %reduce_min3A_155 [0] : vector<4096x512xf32> to vector<512xf32>
    %broadcast_in_dim3A_157 = vector.shape_cast %reduce_min3A_156 : vector<512xf32> to vector<1x512xf32>
    %add3A_158 = arith.constant 4.096000e+03 : f32
    %add3A_159 = vector.broadcast %add3A_158 : f32 to vector<1x512xf32>
    %add3A_160 = arith.addf %broadcast_in_dim3A_157, %add3A_159 : vector<1x512xf32>
    %bitcast_convert_type3A_161 = tpu.bitcast %sqrt3A : vector<1x512xf32> -> vector<1x512xi32>
    %add3A_162 = arith.constant 32767 : i32
    %add3A_163 = vector.broadcast %add3A_162 : i32 to vector<1x512xi32>
    %add3A_164 = arith.addi %bitcast_convert_type3A_161, %add3A_163 : vector<1x512xi32>
    %shift_right_logical3A = arith.constant 16 : i32
    %shift_right_logical3A_165 = vector.broadcast %shift_right_logical3A : i32 to vector<1x512xi32>
    %shift_right_logical3A_166 = arith.shrui %bitcast_convert_type3A_161, %shift_right_logical3A_165 : vector<1x512xi32>
    %and3A = arith.constant 1 : i32
    %and3A_167 = vector.broadcast %and3A : i32 to vector<1x512xi32>
    %and3A_168 = arith.andi %shift_right_logical3A_166, %and3A_167 : vector<1x512xi32>
    %add3A_169 = arith.addi %add3A_164, %and3A_168 : vector<1x512xi32>
    %and3A_170 = arith.constant -65536 : i32
    %and3A_171 = vector.broadcast %and3A_170 : i32 to vector<1x512xi32>
    %and3A_172 = arith.andi %add3A_169, %and3A_171 : vector<1x512xi32>
    %bitcast_convert_type3A_173 = tpu.bitcast %and3A_172 : vector<1x512xi32> -> vector<1x512xf32>
    %lt3A = arith.cmpf olt, %sqrt3A_99, %bitcast_convert_type3A_173 : vector<1x512xf32>
    %select_n3A_174 = arith.select %lt3A, %add3A_160, %add3A_76 : vector<1x512xi1>, vector<1x512xf32>
    %convert_element_type3A_175 = arith.fptosi %select_n3A_174 : vector<1x512xf32> to vector<1x512xi32>
    %reshape3A = vector.shape_cast %convert_element_type3A_175 : vector<1x512xi32> to vector<1x1x512xi32>
    %swap3A = arith.constant 0 : index
    %swap3A_176 = arith.constant 0 : index
    %swap3A_177 = arith.constant 0 : index
    %swap3A_178 = vector.load %arg5[%swap3A, %swap3A_176, %swap3A_177] : memref<1x1x512xi32, #tpu.memory_space<vmem>>, vector<1x1x512xi32>
    tpu.vector_store %arg5[%swap3A, %swap3A_176, %swap3A_177], %reshape3A {strides = array<i32>} : memref<1x1x512xi32, #tpu.memory_space<vmem>>, vector<1x1x512xi32>,
    return
  }
  func.func @transform_0(%arg0: i32) -> (i32, i32) {
    %c0_i32 = arith.constant 0 : i32
    %c0_i32_0 = arith.constant 0 : i32
    return %c0_i32, %arg0 : i32, i32
  }
  func.func @transform_1(%arg0: i32) -> (i32, i32) {
    %c0_i32 = arith.constant 0 : i32
    %c0_i32_0 = arith.constant 0 : i32
    %c0_i32_1 = arith.constant 0 : i32
    return %c0_i32, %c0_i32_0 : i32, i32
  }
  func.func @transform_2(%arg0: i32) -> (i32, i32) {
    %c0_i32 = arith.constant 0 : i32
    %c0_i32_0 = arith.constant 0 : i32
    return %c0_i32, %arg0 : i32, i32
  }
  func.func @transform_3(%arg0: i32) -> (i32, i32) {
    %c0_i32 = arith.constant 0 : i32
    %c0_i32_0 = arith.constant 0 : i32
    %c0_i32_1 = arith.constant 0 : i32
    return %c0_i32, %c0_i32_0 : i32, i32
  }
  func.func @transform_4(%arg0: i32) -> (i32, i32, i32) {
    %c0_i32 = arith.constant 0 : i32
    %c0_i32_0 = arith.constant 0 : i32
    %c0_i32_1 = arith.constant 0 : i32
    return %arg0, %c0_i32, %c0_i32_0 : i32, i32, i32
  }
}

</mosaic_0001>

<sc_bundles>
// kernel: kernel.4.cloned.1.call-start
scs
__scs_entry_jumppad:
0x0: {  	(pc) =	sbr.rel $0x88, $3  }
0x1: {  	(tag) =	ssettag $0x0;
	lr =	simm.s32 $0x1  }
0x2: {  	[smem:$0x3F9E] =	sst lr;
	_ =	strace $0xD0000000  }
0x3: {  	_ = 	snop  }
0x4: {  	_ = 	snop  }
0x5: {  	_ = 	snop  }
0x6: {  	_ = 	snop  }
0x7: {  	_ = 	snop  }
__scs_overlays_trampoline_lowered:
0x8: {  	[smem:$0x3FAD] =	sst s0  }
0x9: {  	[smem:$0x3FAE] =	sst s1  }
0xa: {  	[smem:$0x3FAF] =	sst s2  }
0xb: {  	[smem:$0x3FB0] =	sst s3  }
0xc: {  	[smem:$0x3FB1] =	sst s4  }
0xd: {  	[smem:$0x3FB2] =	sst s5  }
0xe: {  	[smem:$0x3FB3] =	sst s6  }
0xf: {  	[smem:$0x3FB4] =	sst s7  }
0x10: {  	[smem:$0x3FB5] =	sst s8  }
0x11: {  	[smem:$0x3FB6] =	sst s9;
	s0 =	simm.s32 @!p0 $0x0  }
0x12: {  	s1 =	sld [smem:$0x3F9C];
	s0 =	simm.s32 @p0 $0x1  }
0x13: {  	[smem:$0x3FB7] =	sst s0;
	s0 =	simm.s32 @!p1 $0x0  }
0x14: {  	s2 =	sld [smem:$0x3F9B];
	s0 =	simm.s32 @p1 $0x1  }
0x15: {  	[smem:$0x3FB8] =	sst s0;
	s0 =	simm.s32 @!p2 $0x0  }
0x16: {  	s3 =	sld [smem:$0x3FDB];
	s0 =	simm.s32 @p2 $0x1  }
0x17: {  	s4 =	simm.s32 $0x1BF5;
	[smem:$0x3FBA] =	sst s0  }
0x18: {  	s0 =	sld [smem:$0x3F9D];
	_ =	swait.ge [sflag:s4], $0x0  }
0x19: {  	s7 =	sld [smem:$0x3F9E]  }
0x1a: {  	s8 =	sadd.s32 $0xFFFFE003, lr  }
0x1b: {  	s9 =	sadd.s32 $0xFFFFFEF7, lr;
	s5 =	simm.s32 $0xFFFFFFFF;
	p2 =	slt.u32 s8, $0xFFFFF086  }
0x1c: {  	p1 =	slt.u32 s9, $0xF7A;
	s5 =	simm.s32 @!p2 $0x0  }
0x1d: {  	s5 =	simm.s32 @p1 $0x1;
	p0 =	seq.s32 s7, s2  }
0x1e: {  	s7 =	smul.u32 @!p0 $0xF7A, s2;
	p2 =	seq.s32 @!p0 s5, $0x0  }
0x1f: {  	s9 =	smul.u32 $0xF7A, s1;
	s8 =	simm.s32 @!p0 $0x1BF5;
	p2 =	por !p2, p0  }
0x20: {  	[sflag:s8] =	ssyncset.s32 @!p0 $0xFFFFF086;
	s6 =	sadd.s32 @!p0 s3, s7;
	s7 =	simm.s32 @!p0 $0x108  }
0x21: {  	s3 =	sadd.s32 s3, s9;
	s6 =	sadd.s32 @!p0 $0x88, s6;
	s7 =	simm.s32 @p2 $0x1082  }
0x22: {  	[simem:s7], [sflag:s8] =	dma.local @!p0 [hbm:s6], $0xF7A  }
0x23: {  	s9 =	sor.u32 $0xD0000000, s2;
	s6 =	simm.s32 $0x108;
	_ =	swait.ge @!p0 [sflag:s8], $0x0  }
0x24: {  	s3 =	sadd.s32 $0x88, s3;
	s6 =	simm.s32 @!p1 $0x1082;
	[sflag:s4] =	ssyncset.s32 $0xFFFFF086  }
0x25: {  	[simem:s6], [sflag:s4] =	dma.local [hbm:s3], $0xF7A  }
0x26: {  	[smem:$0x3F9E] =	sst s1;
	(tag) =	ssettag s2;
	_ =	strace s9  }
0x27: {  	s1 =	sld [smem:$0x3FAE]  }
0x28: {  	s2 =	sld [smem:$0x3FAF]  }
0x29: {  	s4 =	sld [smem:$0x3FB1]  }
0x2a: {  	p0 =	seq.s32 s5, $0x0;
	s5 =	sld [smem:$0x3FB2]  }
0x2b: {  	s6 =	sld [smem:$0x3FB3]  }
0x2c: {  	s7 =	sld [smem:$0x3FB4]  }
0x2d: {  	s3 =	simm.s32 $0x108;
	s8 =	sld [smem:$0x3FB5]  }
0x2e: {  	s3 =	simm.s32 @!p0 $0x1082;
	s9 =	sld [smem:$0x3FB6]  }
0x2f: {  	lr =	sadd.s32 s0, s3;
	s0 =	sld [smem:$0x3FAD]  }
0x30: {  	s3 =	sld [smem:$0x3FB0]  }
0x31: {  	[smem:$0x3FB9] =	sst s10  }
0x32: {  	s10 =	sld [smem:$0x3FB7];
	_ =	sdelay $0x3  }
0x33: {  	p0 =	seq.s32 s10, $0x1;
	s10 =	sld [smem:$0x3FB9];
	_ =	sdelay $0x3  }
0x34: {  	[smem:$0x3FB9] =	sst s10  }
0x35: {  	s10 =	sld [smem:$0x3FB8];
	_ =	sdelay $0x3  }
0x36: {  	p1 =	seq.s32 s10, $0x1;
	s10 =	sld [smem:$0x3FB9];
	_ =	sdelay $0x3  }
0x37: {  	[smem:$0x3FB9] =	sst s10  }
0x38: {  	s10 =	sld [smem:$0x3FBA]  }
0x39: {  	_ = 	snop;
	(pc) =	sbr.ind lr, $3  }
0x3a: {  	_ = 	snop  }
0x3b: {  	_ = 	snop  }
0x3c: {  	p2 =	seq.s32 s10, $0x1;
	s10 =	sld [smem:$0x3FB9]  }
0x3d: {  	_ =	shalt  }
0x3e: {  	_ =	shalt  }
0x3f: {  	_ =	shalt  }
0x40: {  	_ =	shalt  }
0x41: {  	_ =	shalt  }
0x42: {  	_ =	shalt  }
0x43: {  	_ =	shalt  }
0x44: {  	_ =	shalt  }
0x45: {  	_ =	shalt  }
0x46: {  	_ =	shalt  }
0x47: {  	_ =	shalt  }
0x48: {  	_ =	shalt  }
0x49: {  	_ =	shalt  }
0x4a: {  	_ =	shalt  }
0x4b: {  	_ =	shalt  }
0x4c: {  	_ =	shalt  }
0x4d: {  	_ =	shalt  }
0x4e: {  	_ =	shalt  }
0x4f: {  	_ =	shalt  }
0x50: {  	_ =	shalt  }
0x51: {  	_ =	shalt  }
0x52: {  	_ =	shalt  }
0x53: {  	_ =	shalt  }
0x54: {  	_ =	shalt  }
0x55: {  	_ =	shalt  }
0x56: {  	_ =	shalt  }
0x57: {  	_ =	shalt  }
0x58: {  	_ =	shalt  }
0x59: {  	_ =	shalt  }
0x5a: {  	_ =	shalt  }
0x5b: {  	_ =	shalt  }
0x5c: {  	_ =	shalt  }
0x5d: {  	_ =	shalt  }
0x5e: {  	_ =	shalt  }
0x5f: {  	_ =	shalt  }
0x60: {  	_ =	shalt  }
0x61: {  	_ =	shalt  }
0x62: {  	_ =	shalt  }
0x63: {  	_ =	shalt  }
0x64: {  	_ =	shalt  }
0x65: {  	_ =	shalt  }
0x66: {  	_ =	shalt  }
0x67: {  	_ =	shalt  }
0x68: {  	_ =	shalt  }
0x69: {  	_ =	shalt  }
0x6a: {  	_ =	shalt  }
0x6b: {  	_ =	shalt  }
0x6c: {  	_ =	shalt  }
0x6d: {  	_ =	shalt  }
0x6e: {  	_ =	shalt  }
0x6f: {  	_ =	shalt  }
0x70: {  	_ =	shalt  }
0x71: {  	_ =	shalt  }
0x72: {  	_ =	shalt  }
0x73: {  	_ =	shalt  }
0x74: {  	_ =	shalt  }
0x75: {  	_ =	shalt  }
0x76: {  	_ =	shalt  }
0x77: {  	_ =	shalt  }
0x78: {  	_ =	shalt  }
0x79: {  	_ =	shalt  }
0x7a: {  	_ =	shalt  }
0x7b: {  	_ =	shalt  }
0x7c: {  	_ =	shalt  }
0x7d: {  	_ =	shalt  }
0x7e: {  	_ =	shalt  }
0x7f: {  	_ =	shalt  }
0x80: {  	_ =	shalt  }
0x81: {  	_ =	shalt  }
0x82: {  	_ =	shalt  }
0x83: {  	_ =	shalt  }
0x84: {  	_ =	shalt  }
0x85: {  	_ =	shalt  }
0x86: {  	_ =	shalt  }
0x87: {  	_ =	shalt  }
.Lfunc_end0:
.L_simem_size_0:
called_computation_lowered:
.L_overlay_start_0:
0x88: {  	s2 =	sld [smem:$0x3FD9]  }
0x89: {  	s3 =	sld [smem:$0x3FFE];
	_ =	sdelay $0x1  }
0x8a: {  	s1 =	srdreg.scid  }
0x8b: {  	s0 =	sand.u32 $0x1, s1  }
0x8c: {  	s14 =	sshll.u32 s0, $0xA;
	s2 =	sadd.s32 s3, s2  }
0x8d: {  	s2 =	sadd.s32 s2, s14  }
0x8e: {  	[smem:$0x3FC5] =	sst s2  }
0x8f: {  	_ = 	snop  }
0x90: {  	s2 =	sld [smem:$0x3FD0];
	_ =	sdelay $0x2  }
0x91: {  	s15 =	simm.s32 $0xA;
	s4 =	simm.s32 $0x10  }
0x92: {  	[smem:s4], [sflag:s15] =	dma.local [hbm:s2], $0x1  }
0x93: {  	_ =	swait.eq [sflag:s15], $0x1  }
0x94: {  	[sflag:s15] =	ssyncset.done $0x0  }
0x95: {  	s16 =	sld [smem:$0x10];
	[sflag:s15] =	ssyncadd.s32 $0xFFFFFFFF  }
0x96: {  	s17 =	sld [smem:$0x11];
	(tm) =	ssettm $0x1  }
0x97: {  	s18 =	sld [smem:$0x3FFB];
	_ =	sdelay $0x3  }
0x98: {  	_ =	strace s18  }
0x99: {  	s4 =	sld [smem:$0x3FFC];
	_ =	sdelay $0x3  }
0x9a: {  	_ =	strace s4  }
0x9b: {  	s4 =	sld [smem:$0x3FFD];
	_ =	sdelay $0x3  }
0x9c: {  	_ =	strace s4  }
0x9d: {  	_ =	strace $0x8FFFFFFF  }
0x9e: {  	s19 =	sld [smem:$0x3FDB];
	_ =	sdelay $0x1  }
0x9f: {  	s5 =	simm.s32 $_scs_section_size  }
0xa0: {  	s6 =	simm.s32 $_size__tile_overlayer_lowered;
	s7 =	simm.s32 $_tile_overlayer_lowered  }
0xa1: {  	s22 =	simm.s32 $0x1BFF;
	s21 =	sshll.u32 s7, $0x1;
	s4 =	sadd.s32 s5, s19  }
0xa2: {  	s8 =	simm.s32 $0x0;
	s20 =	sshll.u32 s6, $0x1;
	s6 =	sadd.s32 s21, s4  }
0xa3: {  	[timem:s8], [sflag:s22] =	dma.local [hbm:s6], s20  }
0xa4: {  	_ =	swait.ge [sflag:s22], s20  }
0xa5: {  	s5 =	ssub.s32 $0x0, s20;
	[sflag:s22] =	ssyncset.done $0x0  }
0xa6: {  	[sflag:s22] =	ssyncadd.s32 s5;
	_ =	sdelay $0x1  }
0xa7: {  	s23 =	simm.s32 $0x1B8B  }
0xa8: {  	_ =	swait.ge [sflag:s23], $0x1  }
0xa9: {  	[sflag:s23] =	ssyncset.done $0x0  }
0xaa: {  	s25 =	simm.s32 $0x1B8E;
	s24 =	sld [smem:$0x3FFE];
	[sflag:s23] =	ssyncadd.s32 $0xFFFFFFFF  }
0xab: {  	s26 =	simm.s32 $execute0_lowered;
	[smem:$0x3FD2] =	sst s25  }
0xac: {  	s6 =	sshll.u32 s26, $0x1;
	_ =	strace $0x80000046;
	[dreg:$0x1] =	wrdreg $0xFFFFFFFF  }
0xad: {  	s28 =	simm.s32 $_size_execute0_lowered;
	s4 =	sadd.s32 s4, s6;
	[dreg:$0x0] =	wrdreg $0x0  }
0xae: {  	s6 =	sshll.u32 s28, $0x1;
	[dreg:$0x2] =	wrdreg s4  }
0xaf: {  	[dreg:$0x3] =	wrdreg s6  }
0xb0: {  	[dreg:$0x4] =	wrdreg $0xC0  }
0xb1: {  	_ =	task [dreg:s8], $0x5FFFF  }
0xb2: {  	[dreg:$0x1] =	wrdreg $0xFFFFFFFF  }
0xb3: {  	[dreg:$0x0] =	wrdreg $0x60  }
0xb4: {  	[dreg:$0x2] =	wrdreg s16  }
0xb5: {  	[dreg:$0x3] =	wrdreg s17  }
0xb6: {  	[dreg:$0x4] =	wrdreg s24  }
0xb7: {  	[dreg:$0x5] =	wrdreg $0x9  }
0xb8: {  	_ =	task.clear_ibuf [dreg:s8], $0x6FFFF;
	_ =	strace $0x90000046  }
0xb9: {  	s29 =	simm.s32 $0x9;
	_ =	strace $0x80000048  }
0xba: {  	_ =	swait.ge [sflag:s29], $0x1  }
0xbb: {  	[sflag:s29] =	ssyncadd.s32 $0xFFFFFFFF  }
0xbc: {  	_ =	strace $0x90000048  }
0xbd: {  	_ =	sfence  }
0xbe: {  	s30 =	sld [smem:$0x0];
	_ =	sdelay $0x2  }
0xbf: {  	s31 =	sshll.u32 s1, $0xD;
	s1 =	sshrl.u32 s1, $0x2  }
0xc0: {  	s3 =	sand.u32 $0x4000, s31;
	s1 =	sadd.s32 s1, s30  }
0xc1: {  	s0 =	sor.u32 s3, s0;
	s1 =	sshll.u32 s1, $0x11  }
0xc2: {  	s0 =	sor.u32 s1, s0  }
0xc3: {  	s0 =	sadd.s32 $0x8F2B, s0  }
0xc4: {  	[sflag:s0] =	ssyncadd.remote.s32 $0x1  }
0xc5: {  	_ =	sfence.sel $0xFFFF  }
0xc6: {  	[dreg:$0x0] =	wrdreg $0xFFFFFFFF;
	(pc) =	sbr.abs _section_cstart, $3  }
0xc7: {  	[dreg:$0x1] =	wrdreg $0xFFFFFFFF  }
0xc8: {  	_ =	task.clear_ibuf [dreg:s8], $0x2FFFF;
	_ =	strace $0x9FFFFFFF  }
0xc9: {  	(tm) =	ssettm $0x7FFFFFFF  }
tec
execute0_lowered:
.L_overlay_start_1:
0x0: {  	(tag) =	ssettag $0x1  }
0x1: {  	s1 =	rddreg [dreg:$0x0]  }
0x2: {  	s4 =	rddreg [dreg:$0x1]  }
0x3: {  	s14 =	rddreg [dreg:$0x2];
	s2 =	srdreg.scid  }
0x4: {  	s0 =	rddreg [dreg:$0x3];
	s15 =	sand.u32 $0x1, s2  }
0x5: {  	s3 =	simm.s32 $0x0;
	s2 =	stileid.u32;
	s5 =	sshll.u32 s15, $0x6  }
0x6: {  	[smem:$0x7FF] =	sst s3;
	s6 =	sshll.u32 s2, $0x7;
	s4 =	sadd.s32 s4, s5  }
0x7: {  	_ =	strace $0x80000047;
	s5 =	sadd.s32 s6, s4;
	s4 =	simm.s32 $0x2  }
0x8: {  	[tilespmem:s3], [sflag:$0x2] =	stream.linear.gather [hbm4b:s5+s3], $0x200, $0x38;
	[tilespmem:$0x10200] =	vst v63  }
0x9: {  	_ =	swait.ge [sflag:s4], $0x200  }
0xa: {  	[sflag:s4] =	ssyncset.done $0x0  }
0xb: {  	s7 =	simm.s32 $0x200;
	s6 =	simm.s32 $0x80;
	[sflag:s4] =	ssyncadd.s32 $0xFFFFFE00  }
0xc: {  	[tilespmem:s7], [sflag:$0x1] =	stream.indirect.gather [hbm4b:s1+s6], $0x80, s3, s6, $0xb8;
	[tilespmem:$0x10200] =	vst v63  }
0xd: {  	s8 =	simm.s32 $0x4200  }
0xe: {  	[tilespmem:s8], [sflag:$0x1] =	stream.indirect.gather [hbm4b:s1+s6], $0x80, s6, s6, $0xb8;
	[tilespmem:$0x10200] =	vst v63  }
0xf: {  	s9 =	simm.s32 $0x100;
	s10 =	simm.s32 $0x8200  }
0x10: {  	[tilespmem:s10], [sflag:$0x1] =	stream.indirect.gather [hbm4b:s1+s6], $0x80, s9, s6, $0xb8;
	[tilespmem:$0x10200] =	vst v63  }
0x11: {  	s11 =	simm.s32 $0x180;
	s12 =	simm.s32 $0xC200;
	s13 =	simm.s32 $0x1  }
0x12: {  	[tilespmem:s12], [sflag:$0x1] =	stream.indirect.gather [hbm4b:s1+s6], $0x80, s11, s6, $0xb8;
	[tilespmem:$0x10200] =	vst v63  }
0x13: {  	_ =	swait.ge [sflag:s13], $0x4000  }
0x14: {  	[sflag:s13] =	ssyncset.done $0x0  }
0x15: {  	[sflag:s13] =	ssyncadd.s32 $0xFFFFC000  }
0x16: {  	_ =	swait.ge [sflag:s13], $0x4000  }
0x17: {  	[sflag:s13] =	ssyncset.done $0x0  }
0x18: {  	s16 =	ssub.s32 $0x2, s15;
	[sflag:s13] =	ssyncadd.s32 $0xFFFFC000  }
0x19: {  	s17 =	sshrl.u32 s16, $0x1;
	_ =	swait.ge [sflag:s13], $0x4000  }
0x1a: {  	s16 =	ssub.s32 s16, s17;
	[sflag:s13] =	ssyncset.done $0x0  }
0x1b: {  	s15 =	sshll.u32 s15, $0xD;
	s31 =	smax.u32 s16, $0x1;
	[sflag:s13] =	ssyncadd.s32 $0xFFFFC000  }
0x1c: {  	s30 =	sshll.u32 s2, $0xE;
	p0 =	sne.s32 s31, $0x1;
	_ =	swait.ge [sflag:s13], $0x4000  }
.Ltmp0:
0x1d: {  	s14 =	sadd.s32 s14, s15;
	[sflag:s13] =	ssyncset.done $0x0;
	(pc) =	sbr.rel @!p0 .LBB2_2-.Ltmp0, $4  }
0x1e: {  	s14 =	sadd.s32 s30, s14;
	[sflag:s13] =	ssyncadd.s32 $0xFFFFC000  }
0x1f: {  	[hbm4b:s14+s3] =	stream.linear.scatter [tilespmem:s7], [sflag:$0x2], $0x10000, $0x38;
	[tilespmem:$0x10200] =	vst v63  }
0x20: {  	_ =	swait.ge [sflag:s4], $0x10000  }
0x21: {  	s15 =	sadd.s32 $0xFFFFFFFF, s31;
	[sflag:s4] =	ssyncset.done $0x0  }
.LBB2_1:
0x22: {  	p0 =	sne.s32 s15, $0x1;
	s15 =	sadd.s32 $0xFFFFFFFF, s15;
	[sflag:s4] =	ssyncadd.s32 $0xFFFF0000  }
0x23: {  	[tilespmem:s3], [sflag:$0x2] =	stream.linear.gather [hbm4b:s5+s3], $0x200, $0x38;
	[tilespmem:$0x10200] =	vst v63  }
0x24: {  	_ =	swait.ge [sflag:s4], $0x200  }
0x25: {  	[sflag:s4] =	ssyncset.done $0x0  }
0x26: {  	[sflag:s4] =	ssyncadd.s32 $0xFFFFFE00  }
0x27: {  	[tilespmem:s7], [sflag:$0x1] =	stream.indirect.gather [hbm4b:s1+s6], $0x80, s3, s6, $0xb8;
	[tilespmem:$0x10200] =	vst v63  }
0x28: {  	_ = 	snop  }
0x29: {  	[tilespmem:s8], [sflag:$0x1] =	stream.indirect.gather [hbm4b:s1+s6], $0x80, s6, s6, $0xb8;
	[tilespmem:$0x10200] =	vst v63  }
0x2a: {  	_ = 	snop  }
0x2b: {  	[tilespmem:s10], [sflag:$0x1] =	stream.indirect.gather [hbm4b:s1+s6], $0x80, s9, s6, $0xb8;
	[tilespmem:$0x10200] =	vst v63  }
0x2c: {  	_ = 	snop  }
0x2d: {  	[tilespmem:s12], [sflag:$0x1] =	stream.indirect.gather [hbm4b:s1+s6], $0x80, s11, s6, $0xb8;
	[tilespmem:$0x10200] =	vst v63  }
0x2e: {  	_ =	swait.ge [sflag:s13], $0x4000  }
0x2f: {  	[sflag:s13] =	ssyncset.done $0x0  }
0x30: {  	[sflag:s13] =	ssyncadd.s32 $0xFFFFC000  }
0x31: {  	_ =	swait.ge [sflag:s13], $0x4000  }
0x32: {  	[sflag:s13] =	ssyncset.done $0x0  }
0x33: {  	[sflag:s13] =	ssyncadd.s32 $0xFFFFC000  }
0x34: {  	_ =	swait.ge [sflag:s13], $0x4000  }
0x35: {  	[sflag:s13] =	ssyncset.done $0x0  }
0x36: {  	[sflag:s13] =	ssyncadd.s32 $0xFFFFC000  }
0x37: {  	_ =	swait.ge [sflag:s13], $0x4000  }
.Ltmp1:
0x38: {  	[sflag:s13] =	ssyncset.done $0x0;
	(pc) =	sbr.rel @p0 .LBB2_1-.Ltmp1, $4  }
0x39: {  	[sflag:s13] =	ssyncadd.s32 $0xFFFFC000  }
0x3a: {  	[hbm4b:s14+s3] =	stream.linear.scatter [tilespmem:s7], [sflag:$0x2], $0x10000, $0x38;
	[tilespmem:$0x10200] =	vst v63  }
0x3b: {  	_ =	swait.ge [sflag:s4], $0x10000  }
0x3c: {  	[sflag:s4] =	ssyncset.done $0x0  }
.LBB2_2:
0x3d: {  	[sflag:s4] =	ssyncadd.s32 $0xFFFF0000  }
0x3e: {  	_ =	sfence.sel $0x180000  }
0x3f: {  	[bflag:$0x0] =	sbarrier.arrive $0xFFFF  }
0x40: {  	p0 =	sne.s32 s2, $0x0;
	_ =	strace $0x90000047  }
0x41: {  	s0 =	sadd.s32 @!p0 $0x100000, s0;
	[bflag:$0x2] =	sbarrier.arrive $0xFFFF  }
0x42: {  	[sflag:s0] =	ssyncadd.tile.s32 @!p0 $0x1;
	_ =	shalt  }
.Lfunc_end2:
_tile_overlayer_lowered:
.L_overlay_start_2:
0x43: {  	(tag) =	ssettag $0x2  }
0x44: {  	s0 =	rddreg [dreg:$0x0];
	s2 =	stileid.u32  }
0x45: {  	s1 =	rddreg [dreg:$0x1];
	p0 =	sne.s32 s2, $0x0  }
0x46: {  	s3 =	rddreg [dreg:$0x2];
	[bflag:$0x3] =	sbarrier.arrive $0xFFFF;
	s2 =	simm.s32 @!p0 $0x1C02  }
0x47: {  	[timem:s3], [sflag:s2] =	dma.local @!p0 [hbm:s0], s1  }
0x48: {  	s0 =	simm.s32 @!p0 $0x2  }
0x49: {  	_ =	swait.ge @!p0 [sflag:s0], s1  }
0x4a: {  	s1 =	ssub.s32 @!p0 $0x0, s1;
	[sflag:s0] =	ssyncset.done @!p0 $0x0  }
0x4b: {  	[sflag:s0] =	ssyncadd.s32 @!p0 s1  }
0x4c: {  	[bflag:$0x3] =	sbarrier.arrive $0xFFFF  }
0x4d: {  	_ =	shalt  }

</sc_bundles>
